<compile_context>
chip_gen: v7x
topology: tpu7x:2x2x1
jax: 0.10.2.dev20260603
libtpu: 0.0.44.dev20260713+nightly
codegen_flags: <defaults>
</compile_context>

<pallas_src>
import functools

import jax
import jax.numpy as jnp
from jax import lax
from jax.experimental import pallas as pl
from jax.experimental.pallas import tpu as pltpu
from jax.experimental.pallas import tpu_sc as plsc

N = 10000
E = 320000
F = 128
FH = F // 2

C = 128
TILES = 16
NCHUNK = 157
EPAD = TILES * NCHUNK * C
OUTN = 10240
NACC = OUTN
ZROWS = NACC // TILES
ORS = OUTN // TILES

BR = 1000
NB = N // BR


def _build_tables_body(h_ref, fd_ref, wr_ref, ur_ref, br_ref, ta_ref, tb_ref):
    i = pl.program_id(0)

    @pl.when(i < NB)
    def _copy():
        hv = h_ref[...]
        ta_ref[...] = hv[:, :FH]
        tb_ref[...] = hv[:, FH:]

    @pl.when(i >= NB)
    def _compute():
        hv = h_ref[...]
        r = jax.nn.sigmoid(
            jnp.dot(fd_ref[...], wr_ref[...], preferred_element_type=jnp.float32)
            + jnp.dot(hv, ur_ref[...], preferred_element_type=jnp.float32)
            + br_ref[...]
        )
        rh = r * hv
        ta_ref[...] = rh[:, :FH]
        tb_ref[...] = rh[:, FH:]


def _build_tables(h, f_dst, wr, ur, br):
    return pl.pallas_call(
        _build_tables_body,
        grid=(2 * NB,),
        in_specs=[
            pl.BlockSpec((BR, F), lambda i: (jnp.where(i < NB, i, i - NB), 0)),
            pl.BlockSpec((BR, F), lambda i: (jnp.where(i < NB, 0, i - NB), 0)),
            pl.BlockSpec((F, F), lambda i: (0, 0)),
            pl.BlockSpec((F, F), lambda i: (0, 0)),
            pl.BlockSpec((1, F), lambda i: (0, 0)),
        ],
        out_specs=[
            pl.BlockSpec((BR, FH), lambda i: (i, 0)),
            pl.BlockSpec((BR, FH), lambda i: (i, 0)),
        ],
        out_shape=[
            jax.ShapeDtypeStruct((2 * N, FH), jnp.float32),
            jax.ShapeDtypeStruct((2 * N, FH), jnp.float32),
        ],
    )(h, f_dst, wr, ur, br)


@functools.cache
def _make_segment_sums():
    mesh = plsc.VectorSubcoreMesh(core_axis_name="c", subcore_axis_name="s")

    @functools.partial(
        pl.kernel,
        out_type=[
            jax.ShapeDtypeStruct((2, OUTN, FH), jnp.float32),
            jax.ShapeDtypeStruct((2, OUTN, FH), jnp.float32),
        ],
        mesh=mesh,
        compiler_params=pltpu.CompilerParams(use_tc_tiling_on_sc=False),
        scratch_types=[
            pltpu.VMEM((NCHUNK, C), jnp.int32),
            pltpu.VMEM((NCHUNK, C), jnp.int32),
            pltpu.VMEM((C, FH), jnp.float32),
            pltpu.VMEM_SHARED((NACC, FH), jnp.float32),
            pltpu.SemaphoreType.DMA,
        ],
    )
    def seg(ta_hbm, tb_hbm, src_hbm, dst_hbm, zeros_hbm, outa_hbm, outb_hbm,
            src_v, dst_v, rows_v, acc_sh, sem):
        c = lax.axis_index("c")
        s = lax.axis_index("s")
        pltpu.sync_copy(src_hbm.at[c, s], src_v)
        pltpu.sync_copy(dst_hbm.at[s], dst_v)

        for t_hbm, out_hbm in ((ta_hbm, outa_hbm), (tb_hbm, outb_hbm)):
            pltpu.sync_copy(zeros_hbm, acc_sh.at[pl.ds(s * ZROWS, ZROWS)])
            plsc.subcore_barrier()

            def body(j, carry):
                pltpu.async_copy(t_hbm.at[src_v.at[j]], rows_v, sem).wait()
                pltpu.sync_copy(rows_v, acc_sh.at[dst_v.at[j]], add=True)
                return carry

            lax.fori_loop(0, NCHUNK, body, 0)
            plsc.subcore_barrier()
            pltpu.sync_copy(acc_sh.at[pl.ds(s * ORS, ORS)],
                            out_hbm.at[c, pl.ds(s * ORS, ORS)])
            plsc.subcore_barrier()

    return seg


def _segment_sums(ta, tb, src2, dst_r, zeros):
    return _make_segment_sums()(ta, tb, src2, dst_r, zeros)


def _gate_body(fs_ref, sa_ref, sb_ref, ra_ref, rb_ref, wz_ref, uz_ref, bz_ref,
               w_ref, u_ref, b_ref, out_ref):
    fs = fs_ref[...]
    sv = jnp.concatenate([sa_ref[0], sb_ref[0]], axis=1)
    srh = jnp.concatenate([ra_ref[0], rb_ref[0]], axis=1)
    z = jax.nn.sigmoid(
        jnp.dot(fs, wz_ref[...], preferred_element_type=jnp.float32)
        + jnp.dot(sv, uz_ref[...], preferred_element_type=jnp.float32)
        + bz_ref[...]
    )
    ht = jnp.tanh(
        jnp.dot(fs, w_ref[...], preferred_element_type=jnp.float32)
        + jnp.dot(srh, u_ref[...], preferred_element_type=jnp.float32)
        + b_ref[...]
    )
    out_ref[...] = (1.0 - z) * sv + z * ht


def _gate(f_src, sega, segb, wz, uz, bz, w, u, b):
    full = lambda i: (0, 0)
    return pl.pallas_call(
        _gate_body,
        grid=(NB,),
        in_specs=[
            pl.BlockSpec((BR, F), lambda i: (i, 0)),
            pl.BlockSpec((1, BR, FH), lambda i: (0, i, 0)),
            pl.BlockSpec((1, BR, FH), lambda i: (0, i, 0)),
            pl.BlockSpec((1, BR, FH), lambda i: (1, i, 0)),
            pl.BlockSpec((1, BR, FH), lambda i: (1, i, 0)),
            pl.BlockSpec((F, F), full),
            pl.BlockSpec((F, F), full),
            pl.BlockSpec((1, F), full),
            pl.BlockSpec((F, F), full),
            pl.BlockSpec((F, F), full),
            pl.BlockSpec((1, F), full),
        ],
        out_specs=pl.BlockSpec((BR, F), lambda i: (i, 0)),
        out_shape=jax.ShapeDtypeStruct((N, F), jnp.float32),
    )(f_src, sega, segb, sega, segb, wz, uz, bz, w, u, b)


def kernel(h, f_src, f_dst, edge_index, wz, uz, bz, wr, ur, br, w, u, b):
    src = edge_index[0]
    dst = edge_index[1]
    pad = EPAD - E
    src_p = jnp.concatenate([src, jnp.zeros((pad,), jnp.int32)])
    dst_p = jnp.concatenate(
        [dst, N + (jnp.arange(pad, dtype=jnp.int32) % (OUTN - N))])
    src_r = src_p.reshape(TILES, NCHUNK, C)
    src2 = jnp.stack([src_r, src_r + N])
    dst_r = dst_p.reshape(TILES, NCHUNK, C)
    zeros = jnp.zeros((ZROWS, FH), jnp.float32)

    ta, tb = _build_tables(h, f_dst, wr, ur, br)
    sega, segb = _segment_sums(ta, tb, src2, dst_r, zeros)
    return _gate(f_src, sega, segb, wz, uz, bz, w, u, b)

# --- scband reference (transcript-rebuilt; emitter-appended) ---
"""Pipeline reference for scband-tree-gru-5798205849962 (READ-ONLY COPY).

The authoritative reference and input builder live on the scoring server;
editing this copy changes nothing except your own understanding.
"""

import jax, jax.numpy as jnp
import numpy as np

N = 10000
E = 320000
IN_FEATS = 128
OUT_FEATS = 128


def setup_inputs(seed: int = 0) -> dict:
    key = jax.random.key(seed)
    ks = jax.random.split(key, 12)
    h = jax.random.normal(ks[0], (N, OUT_FEATS), dtype=jnp.float32)
    f_src = jax.random.normal(ks[1], (N, IN_FEATS), dtype=jnp.float32)
    f_dst = jax.random.normal(ks[2], (N, IN_FEATS), dtype=jnp.float32)
    edge_index = jax.random.randint(ks[3], (2, E), 0, N, dtype=jnp.int32)
    # Learned parameters (match torch init: th.rand for weights, zeros for biases)
    wz = jax.random.uniform(ks[4], (IN_FEATS, OUT_FEATS), dtype=jnp.float32)
    uz = jax.random.uniform(ks[5], (OUT_FEATS, OUT_FEATS), dtype=jnp.float32)
    bz = jnp.zeros((1, OUT_FEATS), dtype=jnp.float32)
    wr = jax.random.uniform(ks[6], (IN_FEATS, OUT_FEATS), dtype=jnp.float32)
    ur = jax.random.uniform(ks[7], (OUT_FEATS, OUT_FEATS), dtype=jnp.float32)
    br = jnp.zeros((1, OUT_FEATS), dtype=jnp.float32)
    w = jax.random.uniform(ks[8], (IN_FEATS, OUT_FEATS), dtype=jnp.float32)
    u = jax.random.uniform(ks[9], (OUT_FEATS, OUT_FEATS), dtype=jnp.float32)
    b = jnp.zeros((1, OUT_FEATS), dtype=jnp.float32)
    return {
        "h": h, "f_src": f_src, "f_dst": f_dst, "edge_index": edge_index,
        "wz": wz, "uz": uz, "bz": bz,
        "wr": wr, "ur": ur, "br": br,
        "w": w, "u": u, "b": b,
    }


def reference(h, f_src, f_dst, edge_index, wz, uz, bz, wr, ur, br, w, u, b):
    src = edge_index[0]
    dst = edge_index[1]
    # pull with copy_src(h) + sum reducer: s[v] = sum_{(u->v)} h[u]
    s = jax.ops.segment_sum(jnp.take(h, src, axis=0), dst, num_segments=N)
    # z apply: z = sigmoid(f_src @ wz + s @ uz + bz)
    z = jax.nn.sigmoid(f_src @ wz + s @ uz + bz)
    # message: r = sigmoid(f_dst @ wr + h @ ur + br) computed at source nodes,
    # msg = r * h ; reduce sum into destination
    r = jax.nn.sigmoid(f_dst @ wr + h @ ur + br)
    r_times_h = r * h
    sum_r_times_h = jax.ops.segment_sum(jnp.take(r_times_h, src, axis=0), dst, num_segments=N)
    # h_tilde apply: tanh(f_src @ w + sum_r_times_h @ u + b)
    h_tilde = jnp.tanh(f_src @ w + sum_r_times_h @ u + b)
    # h apply: gated update
    h_new = (1.0 - z) * s + z * h_tilde
    return h_new

if __name__ == "__main__":
    import jax
    _d = setup_inputs()
    print(jax.jit(kernel)(*tuple(_d.values())))

</pallas_src>

<mosaic_0001>
#map = affine_map<(d0, d1) -> (0, 0)>
#map1 = affine_map<(d0, d1) -> (0, 0, 0, 0)>
#map2 = affine_map<(d0, d1) -> (0, 0, 0)>
module attributes {stable_mosaic.version = 14 : i64} {
  func.func @seg(%arg0: i32, %arg1: i32, %arg2: memref<20000x64xf32, #tpu.memory_space<hbm>>, %arg3: memref<20000x64xf32, #tpu.memory_space<hbm>>, %arg4: memref<2x16x157x128xi32, #tpu.memory_space<hbm>>, %arg5: memref<16x157x128xi32, #tpu.memory_space<hbm>>, %arg6: memref<640x64xf32, #tpu.memory_space<hbm>>, %arg7: memref<2x10240x64xf32, #tpu.memory_space<hbm>>, %arg8: memref<2x10240x64xf32, #tpu.memory_space<hbm>>, %arg9: memref<157x128xi32, #tpu.memory_space<vmem>>, %arg10: memref<157x128xi32, #tpu.memory_space<vmem>>, %arg11: memref<128x64xf32, #tpu.memory_space<vmem>>, %arg12: memref<10240x64xf32, #tpu.memory_space<vmem_shared>>, %arg13: memref<!tpu.dma_semaphore, #tpu.memory_space<semaphore_mem>>) attributes {dimension_semantics = [#tpu.dimension_semantics<core_parallel>, #tpu.dimension_semantics<subcore_parallel>], iteration_bounds = array<i64: 2, 16>, scalar_prefetch = 0 : i64, scratch_operands = 5 : i64, tpu.core_type = #tpu.core_type<sc_vector_subcore>, window_params = [{transform_indices = #map}, {transform_indices = #map}, {transform_indices = #map1}, {transform_indices = #map2}, {transform_indices = #map}, {transform_indices = #map2}, {transform_indices = #map2}]} {
    "tpu.region"() ({
      %run_scoped3A = tpu.sem_alloc : memref<!tpu.dma_semaphore, #tpu.memory_space<semaphore_mem>>
      %dma_start3A = arith.constant 0 : i32
      %dma_start3A_27 = arith.constant 0 : i32
      %dma_start3A_28 = tpu.memref_slice %arg4[%arg0, %arg1, %dma_start3A, %dma_start3A_27] : memref<2x16x157x128xi32, #tpu.memory_space<hbm>> -> memref<1x1x157x128xi32, #tpu.memory_space<hbm>>
      %dma_start3A_29 = tpu.memref_squeeze %dma_start3A_28 : memref<1x1x157x128xi32, #tpu.memory_space<hbm>> -> memref<157x128xi32, #tpu.memory_space<hbm>>
      %dma_start3A_30 = arith.constant 0 : i32
      %dma_start3A_31 = arith.constant 0 : i32
      %dma_start3A_32 = tpu.memref_slice %arg4[%arg0, %arg1, %dma_start3A_30, %dma_start3A_31] : memref<2x16x157x128xi32, #tpu.memory_space<hbm>> -> memref<1x1x157x128xi32, #tpu.memory_space<hbm>>
      %dma_start3A_33 = tpu.memref_squeeze %dma_start3A_32 : memref<1x1x157x128xi32, #tpu.memory_space<hbm>> -> memref<157x128xi32, #tpu.memory_space<hbm>>
      tpu.enqueue_dma source(%dma_start3A_33 : memref<157x128xi32, #tpu.memory_space<hbm>>) target(%arg9 : memref<157x128xi32, #tpu.memory_space<vmem>>) target_semaphore(%run_scoped3A : memref<!tpu.dma_semaphore, #tpu.memory_space<semaphore_mem>>)
      %dma_wait3A = arith.constant 0 : i32
      %dma_wait3A_34 = arith.constant 0 : i32
      %dma_wait3A_35 = tpu.memref_slice %arg4[%arg0, %arg1, %dma_wait3A, %dma_wait3A_34] : memref<2x16x157x128xi32, #tpu.memory_space<hbm>> -> memref<1x1x157x128xi32, #tpu.memory_space<hbm>>
      %dma_wait3A_36 = tpu.memref_squeeze %dma_wait3A_35 : memref<1x1x157x128xi32, #tpu.memory_space<hbm>> -> memref<157x128xi32, #tpu.memory_space<hbm>>
      %dma_wait3A_37 = arith.constant 0 : i32
      %dma_wait3A_38 = arith.constant 0 : i32
      %dma_wait3A_39 = tpu.memref_slice %arg4[%arg0, %arg1, %dma_wait3A_37, %dma_wait3A_38] : memref<2x16x157x128xi32, #tpu.memory_space<hbm>> -> memref<1x1x157x128xi32, #tpu.memory_space<hbm>>
      %dma_wait3A_40 = tpu.memref_squeeze %dma_wait3A_39 : memref<1x1x157x128xi32, #tpu.memory_space<hbm>> -> memref<157x128xi32, #tpu.memory_space<hbm>>
      tpu.wait_dma2 semaphore(%run_scoped3A : memref<!tpu.dma_semaphore, #tpu.memory_space<semaphore_mem>>) src(%dma_wait3A_40 : memref<157x128xi32, #tpu.memory_space<hbm>>) dst(%arg9 : memref<157x128xi32, #tpu.memory_space<vmem>>)
      tpu.yield
    }) : () -> ()
    "tpu.region"() ({
      %run_scoped3A = tpu.sem_alloc : memref<!tpu.dma_semaphore, #tpu.memory_space<semaphore_mem>>
      %dma_start3A = arith.constant 0 : i32
      %dma_start3A_27 = arith.constant 0 : i32
      %dma_start3A_28 = tpu.memref_slice %arg5[%arg1, %dma_start3A, %dma_start3A_27] : memref<16x157x128xi32, #tpu.memory_space<hbm>> -> memref<1x157x128xi32, #tpu.memory_space<hbm>>
      %dma_start3A_29 = tpu.memref_squeeze %dma_start3A_28 : memref<1x157x128xi32, #tpu.memory_space<hbm>> -> memref<157x128xi32, #tpu.memory_space<hbm>>
      %dma_start3A_30 = arith.constant 0 : i32
      %dma_start3A_31 = arith.constant 0 : i32
      %dma_start3A_32 = tpu.memref_slice %arg5[%arg1, %dma_start3A_30, %dma_start3A_31] : memref<16x157x128xi32, #tpu.memory_space<hbm>> -> memref<1x157x128xi32, #tpu.memory_space<hbm>>
      %dma_start3A_33 = tpu.memref_squeeze %dma_start3A_32 : memref<1x157x128xi32, #tpu.memory_space<hbm>> -> memref<157x128xi32, #tpu.memory_space<hbm>>
      tpu.enqueue_dma source(%dma_start3A_33 : memref<157x128xi32, #tpu.memory_space<hbm>>) target(%arg10 : memref<157x128xi32, #tpu.memory_space<vmem>>) target_semaphore(%run_scoped3A : memref<!tpu.dma_semaphore, #tpu.memory_space<semaphore_mem>>)
      %dma_wait3A = arith.constant 0 : i32
      %dma_wait3A_34 = arith.constant 0 : i32
      %dma_wait3A_35 = tpu.memref_slice %arg5[%arg1, %dma_wait3A, %dma_wait3A_34] : memref<16x157x128xi32, #tpu.memory_space<hbm>> -> memref<1x157x128xi32, #tpu.memory_space<hbm>>
      %dma_wait3A_36 = tpu.memref_squeeze %dma_wait3A_35 : memref<1x157x128xi32, #tpu.memory_space<hbm>> -> memref<157x128xi32, #tpu.memory_space<hbm>>
      %dma_wait3A_37 = arith.constant 0 : i32
      %dma_wait3A_38 = arith.constant 0 : i32
      %dma_wait3A_39 = tpu.memref_slice %arg5[%arg1, %dma_wait3A_37, %dma_wait3A_38] : memref<16x157x128xi32, #tpu.memory_space<hbm>> -> memref<1x157x128xi32, #tpu.memory_space<hbm>>
      %dma_wait3A_40 = tpu.memref_squeeze %dma_wait3A_39 : memref<1x157x128xi32, #tpu.memory_space<hbm>> -> memref<157x128xi32, #tpu.memory_space<hbm>>
      tpu.wait_dma2 semaphore(%run_scoped3A : memref<!tpu.dma_semaphore, #tpu.memory_space<semaphore_mem>>) src(%dma_wait3A_40 : memref<157x128xi32, #tpu.memory_space<hbm>>) dst(%arg10 : memref<157x128xi32, #tpu.memory_space<vmem>>)
      tpu.yield
    }) : () -> ()
    %mul3A = arith.constant 640 : i32
    %mul3A_0 = arith.muli %arg1, %mul3A : i32
    "tpu.region"() ({
      %run_scoped3A = tpu.sem_alloc : memref<!tpu.dma_semaphore, #tpu.memory_space<semaphore_mem>>
      %dma_start3A = arith.constant 0 : i32
      %dma_start3A_27 = tpu.memref_slice %arg12[%mul3A_0, %dma_start3A] : memref<10240x64xf32, #tpu.memory_space<vmem_shared>> -> memref<640x64xf32, #tpu.memory_space<vmem_shared>>
      tpu.enqueue_dma source(%arg6 : memref<640x64xf32, #tpu.memory_space<hbm>>) target(%dma_start3A_27 : memref<640x64xf32, #tpu.memory_space<vmem_shared>>) target_semaphore(%run_scoped3A : memref<!tpu.dma_semaphore, #tpu.memory_space<semaphore_mem>>)
      %dma_wait3A = arith.constant 0 : i32
      %dma_wait3A_28 = tpu.memref_slice %arg12[%mul3A_0, %dma_wait3A] : memref<10240x64xf32, #tpu.memory_space<vmem_shared>> -> memref<640x64xf32, #tpu.memory_space<vmem_shared>>
      tpu.wait_dma2 semaphore(%run_scoped3A : memref<!tpu.dma_semaphore, #tpu.memory_space<semaphore_mem>>) src(%arg6 : memref<640x64xf32, #tpu.memory_space<hbm>>) dst(%dma_wait3A_28 : memref<640x64xf32, #tpu.memory_space<vmem_shared>>)
      tpu.yield
    }) : () -> ()
    %barrier3A = arith.constant 0 : index
    tpu.barrier barrier_id(%barrier3A)
    %scan3A = arith.constant 0 : i32
    %scan3A_1 = arith.constant 0 : i32
    %scan3A_2 = arith.constant 157 : i32
    %scan3A_3 = arith.addi %scan3A_1, %scan3A_2 : i32
    %scan3A_4 = arith.constant 1 : i32
    scf.for %scan3A_27 = %scan3A_1 to %scan3A_3 step %scan3A_4  : i32 {
      %dma_start3A = arith.constant 0 : i32
      %dma_start3A_28 = tpu.memref_slice %arg9[%scan3A_27, %dma_start3A] : memref<157x128xi32, #tpu.memory_space<vmem>> -> memref<1x128xi32, #tpu.memory_space<vmem>>
      %dma_start3A_29 = tpu.memref_squeeze %dma_start3A_28 : memref<1x128xi32, #tpu.memory_space<vmem>> -> memref<128xi32, #tpu.memory_space<vmem>>
      %dma_start3A_30 = arith.constant 0 : i32
      %dma_start3A_31 = arith.constant 0 : i32
      %dma_start3A_32 = tpu.memref_slice %arg2[%dma_start3A_30, %dma_start3A_31] : memref<20000x64xf32, #tpu.memory_space<hbm>> -> memref<20000x64xf32, #tpu.memory_space<hbm>>
      tpu.enqueue_indirect_dma source(%dma_start3A_32 : memref<20000x64xf32, #tpu.memory_space<hbm>>) target(%arg11 : memref<128x64xf32, #tpu.memory_space<vmem>>) offsets(%dma_start3A_29 : memref<128xi32, #tpu.memory_space<vmem>>) semaphore(%arg13 : memref<!tpu.dma_semaphore, #tpu.memory_space<semaphore_mem>>)
      %dma_wait3A = arith.constant 0 : i32
      %dma_wait3A_33 = tpu.memref_slice %arg9[%scan3A_27, %dma_wait3A] : memref<157x128xi32, #tpu.memory_space<vmem>> -> memref<1x128xi32, #tpu.memory_space<vmem>>
      %dma_wait3A_34 = tpu.memref_squeeze %dma_wait3A_33 : memref<1x128xi32, #tpu.memory_space<vmem>> -> memref<128xi32, #tpu.memory_space<vmem>>
      %dma_wait3A_35 = arith.constant 0 : i32
      %dma_wait3A_36 = arith.constant 0 : i32
      %dma_wait3A_37 = tpu.memref_slice %arg2[%dma_wait3A_35, %dma_wait3A_36] : memref<20000x64xf32, #tpu.memory_space<hbm>> -> memref<20000x64xf32, #tpu.memory_space<hbm>>
      tpu.wait_indirect_dma semaphore(%arg13 : memref<!tpu.dma_semaphore, #tpu.memory_space<semaphore_mem>>) src(%dma_wait3A_37 : memref<20000x64xf32, #tpu.memory_space<hbm>>) dst(%arg11 : memref<128x64xf32, #tpu.memory_space<vmem>>)
      "tpu.region"() ({
        %run_scoped3A = tpu.sem_alloc : memref<!tpu.dma_semaphore, #tpu.memory_space<semaphore_mem>>
        %dma_start3A_38 = arith.constant 0 : i32
        %dma_start3A_39 = tpu.memref_slice %arg10[%scan3A_27, %dma_start3A_38] : memref<157x128xi32, #tpu.memory_space<vmem>> -> memref<1x128xi32, #tpu.memory_space<vmem>>
        %dma_start3A_40 = tpu.memref_squeeze %dma_start3A_39 : memref<1x128xi32, #tpu.memory_space<vmem>> -> memref<128xi32, #tpu.memory_space<vmem>>
        %dma_start3A_41 = arith.constant 0 : i32
        %dma_start3A_42 = arith.constant 0 : i32
        %dma_start3A_43 = tpu.memref_slice %arg12[%dma_start3A_41, %dma_start3A_42] : memref<10240x64xf32, #tpu.memory_space<vmem_shared>> -> memref<10240x64xf32, #tpu.memory_space<vmem_shared>>
        tpu.enqueue_indirect_dma source(%arg11 : memref<128x64xf32, #tpu.memory_space<vmem>>) target(%dma_start3A_43 : memref<10240x64xf32, #tpu.memory_space<vmem_shared>>) offsets(%dma_start3A_40 : memref<128xi32, #tpu.memory_space<vmem>>) semaphore(%run_scoped3A : memref<!tpu.dma_semaphore, #tpu.memory_space<semaphore_mem>>) {add = true}
        %dma_wait3A_44 = arith.constant 0 : i32
        %dma_wait3A_45 = tpu.memref_slice %arg10[%scan3A_27, %dma_wait3A_44] : memref<157x128xi32, #tpu.memory_space<vmem>> -> memref<1x128xi32, #tpu.memory_space<vmem>>
        %dma_wait3A_46 = tpu.memref_squeeze %dma_wait3A_45 : memref<1x128xi32, #tpu.memory_space<vmem>> -> memref<128xi32, #tpu.memory_space<vmem>>
        %dma_wait3A_47 = arith.constant 0 : i32
        %dma_wait3A_48 = arith.constant 0 : i32
        %dma_wait3A_49 = tpu.memref_slice %arg12[%dma_wait3A_47, %dma_wait3A_48] : memref<10240x64xf32, #tpu.memory_space<vmem_shared>> -> memref<10240x64xf32, #tpu.memory_space<vmem_shared>>
        tpu.wait_indirect_dma semaphore(%run_scoped3A : memref<!tpu.dma_semaphore, #tpu.memory_space<semaphore_mem>>) src(%arg11 : memref<128x64xf32, #tpu.memory_space<vmem>>) dst(%dma_wait3A_49 : memref<10240x64xf32, #tpu.memory_space<vmem_shared>>)
        tpu.yield
      }) : () -> ()
    }
    %scan3A_5 = arith.constant 157 : i32
    %barrier3A_6 = arith.constant 0 : index
    tpu.barrier barrier_id(%barrier3A_6)
    %mul3A_7 = arith.constant 640 : i32
    %mul3A_8 = arith.muli %arg1, %mul3A_7 : i32
    %mul3A_9 = arith.constant 640 : i32
    %mul3A_10 = arith.muli %arg1, %mul3A_9 : i32
    "tpu.region"() ({
      %run_scoped3A = tpu.sem_alloc : memref<!tpu.dma_semaphore, #tpu.memory_space<semaphore_mem>>
      %dma_start3A = arith.constant 0 : i32
      %dma_start3A_27 = tpu.memref_slice %arg7[%arg0, %mul3A_10, %dma_start3A] : memref<2x10240x64xf32, #tpu.memory_space<hbm>> -> memref<1x640x64xf32, #tpu.memory_space<hbm>>
      %dma_start3A_28 = tpu.memref_squeeze %dma_start3A_27 : memref<1x640x64xf32, #tpu.memory_space<hbm>> -> memref<640x64xf32, #tpu.memory_space<hbm>>
      %dma_start3A_29 = arith.constant 0 : i32
      %dma_start3A_30 = tpu.memref_slice %arg12[%mul3A_8, %dma_start3A_29] : memref<10240x64xf32, #tpu.memory_space<vmem_shared>> -> memref<640x64xf32, #tpu.memory_space<vmem_shared>>
      tpu.enqueue_dma source(%dma_start3A_30 : memref<640x64xf32, #tpu.memory_space<vmem_shared>>) target(%dma_start3A_28 : memref<640x64xf32, #tpu.memory_space<hbm>>) target_semaphore(%run_scoped3A : memref<!tpu.dma_semaphore, #tpu.memory_space<semaphore_mem>>)
      %dma_wait3A = arith.constant 0 : i32
      %dma_wait3A_31 = tpu.memref_slice %arg7[%arg0, %mul3A_10, %dma_wait3A] : memref<2x10240x64xf32, #tpu.memory_space<hbm>> -> memref<1x640x64xf32, #tpu.memory_space<hbm>>
      %dma_wait3A_32 = tpu.memref_squeeze %dma_wait3A_31 : memref<1x640x64xf32, #tpu.memory_space<hbm>> -> memref<640x64xf32, #tpu.memory_space<hbm>>
      %dma_wait3A_33 = arith.constant 0 : i32
      %dma_wait3A_34 = tpu.memref_slice %arg12[%mul3A_8, %dma_wait3A_33] : memref<10240x64xf32, #tpu.memory_space<vmem_shared>> -> memref<640x64xf32, #tpu.memory_space<vmem_shared>>
      tpu.wait_dma2 semaphore(%run_scoped3A : memref<!tpu.dma_semaphore, #tpu.memory_space<semaphore_mem>>) src(%dma_wait3A_34 : memref<640x64xf32, #tpu.memory_space<vmem_shared>>) dst(%dma_wait3A_32 : memref<640x64xf32, #tpu.memory_space<hbm>>)
      tpu.yield
    }) : () -> ()
    %barrier3A_11 = arith.constant 0 : index
    tpu.barrier barrier_id(%barrier3A_11)
    %mul3A_12 = arith.constant 640 : i32
    %mul3A_13 = arith.muli %arg1, %mul3A_12 : i32
    "tpu.region"() ({
      %run_scoped3A = tpu.sem_alloc : memref<!tpu.dma_semaphore, #tpu.memory_space<semaphore_mem>>
      %dma_start3A = arith.constant 0 : i32
      %dma_start3A_27 = tpu.memref_slice %arg12[%mul3A_13, %dma_start3A] : memref<10240x64xf32, #tpu.memory_space<vmem_shared>> -> memref<640x64xf32, #tpu.memory_space<vmem_shared>>
      tpu.enqueue_dma source(%arg6 : memref<640x64xf32, #tpu.memory_space<hbm>>) target(%dma_start3A_27 : memref<640x64xf32, #tpu.memory_space<vmem_shared>>) target_semaphore(%run_scoped3A : memref<!tpu.dma_semaphore, #tpu.memory_space<semaphore_mem>>)
      %dma_wait3A = arith.constant 0 : i32
      %dma_wait3A_28 = tpu.memref_slice %arg12[%mul3A_13, %dma_wait3A] : memref<10240x64xf32, #tpu.memory_space<vmem_shared>> -> memref<640x64xf32, #tpu.memory_space<vmem_shared>>
      tpu.wait_dma2 semaphore(%run_scoped3A : memref<!tpu.dma_semaphore, #tpu.memory_space<semaphore_mem>>) src(%arg6 : memref<640x64xf32, #tpu.memory_space<hbm>>) dst(%dma_wait3A_28 : memref<640x64xf32, #tpu.memory_space<vmem_shared>>)
      tpu.yield
    }) : () -> ()
    %barrier3A_14 = arith.constant 0 : index
    tpu.barrier barrier_id(%barrier3A_14)
    %scan3A_15 = arith.constant 0 : i32
    %scan3A_16 = arith.constant 0 : i32
    %scan3A_17 = arith.constant 157 : i32
    %scan3A_18 = arith.addi %scan3A_16, %scan3A_17 : i32
    %scan3A_19 = arith.constant 1 : i32
    scf.for %scan3A_27 = %scan3A_16 to %scan3A_18 step %scan3A_19  : i32 {
      %dma_start3A = arith.constant 0 : i32
      %dma_start3A_28 = tpu.memref_slice %arg9[%scan3A_27, %dma_start3A] : memref<157x128xi32, #tpu.memory_space<vmem>> -> memref<1x128xi32, #tpu.memory_space<vmem>>
      %dma_start3A_29 = tpu.memref_squeeze %dma_start3A_28 : memref<1x128xi32, #tpu.memory_space<vmem>> -> memref<128xi32, #tpu.memory_space<vmem>>
      %dma_start3A_30 = arith.constant 0 : i32
      %dma_start3A_31 = arith.constant 0 : i32
      %dma_start3A_32 = tpu.memref_slice %arg3[%dma_start3A_30, %dma_start3A_31] : memref<20000x64xf32, #tpu.memory_space<hbm>> -> memref<20000x64xf32, #tpu.memory_space<hbm>>
      tpu.enqueue_indirect_dma source(%dma_start3A_32 : memref<20000x64xf32, #tpu.memory_space<hbm>>) target(%arg11 : memref<128x64xf32, #tpu.memory_space<vmem>>) offsets(%dma_start3A_29 : memref<128xi32, #tpu.memory_space<vmem>>) semaphore(%arg13 : memref<!tpu.dma_semaphore, #tpu.memory_space<semaphore_mem>>)
      %dma_wait3A = arith.constant 0 : i32
      %dma_wait3A_33 = tpu.memref_slice %arg9[%scan3A_27, %dma_wait3A] : memref<157x128xi32, #tpu.memory_space<vmem>> -> memref<1x128xi32, #tpu.memory_space<vmem>>
      %dma_wait3A_34 = tpu.memref_squeeze %dma_wait3A_33 : memref<1x128xi32, #tpu.memory_space<vmem>> -> memref<128xi32, #tpu.memory_space<vmem>>
      %dma_wait3A_35 = arith.constant 0 : i32
      %dma_wait3A_36 = arith.constant 0 : i32
      %dma_wait3A_37 = tpu.memref_slice %arg3[%dma_wait3A_35, %dma_wait3A_36] : memref<20000x64xf32, #tpu.memory_space<hbm>> -> memref<20000x64xf32, #tpu.memory_space<hbm>>
      tpu.wait_indirect_dma semaphore(%arg13 : memref<!tpu.dma_semaphore, #tpu.memory_space<semaphore_mem>>) src(%dma_wait3A_37 : memref<20000x64xf32, #tpu.memory_space<hbm>>) dst(%arg11 : memref<128x64xf32, #tpu.memory_space<vmem>>)
      "tpu.region"() ({
        %run_scoped3A = tpu.sem_alloc : memref<!tpu.dma_semaphore, #tpu.memory_space<semaphore_mem>>
        %dma_start3A_38 = arith.constant 0 : i32
        %dma_start3A_39 = tpu.memref_slice %arg10[%scan3A_27, %dma_start3A_38] : memref<157x128xi32, #tpu.memory_space<vmem>> -> memref<1x128xi32, #tpu.memory_space<vmem>>
        %dma_start3A_40 = tpu.memref_squeeze %dma_start3A_39 : memref<1x128xi32, #tpu.memory_space<vmem>> -> memref<128xi32, #tpu.memory_space<vmem>>
        %dma_start3A_41 = arith.constant 0 : i32
        %dma_start3A_42 = arith.constant 0 : i32
        %dma_start3A_43 = tpu.memref_slice %arg12[%dma_start3A_41, %dma_start3A_42] : memref<10240x64xf32, #tpu.memory_space<vmem_shared>> -> memref<10240x64xf32, #tpu.memory_space<vmem_shared>>
        tpu.enqueue_indirect_dma source(%arg11 : memref<128x64xf32, #tpu.memory_space<vmem>>) target(%dma_start3A_43 : memref<10240x64xf32, #tpu.memory_space<vmem_shared>>) offsets(%dma_start3A_40 : memref<128xi32, #tpu.memory_space<vmem>>) semaphore(%run_scoped3A : memref<!tpu.dma_semaphore, #tpu.memory_space<semaphore_mem>>) {add = true}
        %dma_wait3A_44 = arith.constant 0 : i32
        %dma_wait3A_45 = tpu.memref_slice %arg10[%scan3A_27, %dma_wait3A_44] : memref<157x128xi32, #tpu.memory_space<vmem>> -> memref<1x128xi32, #tpu.memory_space<vmem>>
        %dma_wait3A_46 = tpu.memref_squeeze %dma_wait3A_45 : memref<1x128xi32, #tpu.memory_space<vmem>> -> memref<128xi32, #tpu.memory_space<vmem>>
        %dma_wait3A_47 = arith.constant 0 : i32
        %dma_wait3A_48 = arith.constant 0 : i32
        %dma_wait3A_49 = tpu.memref_slice %arg12[%dma_wait3A_47, %dma_wait3A_48] : memref<10240x64xf32, #tpu.memory_space<vmem_shared>> -> memref<10240x64xf32, #tpu.memory_space<vmem_shared>>
        tpu.wait_indirect_dma semaphore(%run_scoped3A : memref<!tpu.dma_semaphore, #tpu.memory_space<semaphore_mem>>) src(%arg11 : memref<128x64xf32, #tpu.memory_space<vmem>>) dst(%dma_wait3A_49 : memref<10240x64xf32, #tpu.memory_space<vmem_shared>>)
        tpu.yield
      }) : () -> ()
    }
    %scan3A_20 = arith.constant 157 : i32
    %barrier3A_21 = arith.constant 0 : index
    tpu.barrier barrier_id(%barrier3A_21)
    %mul3A_22 = arith.constant 640 : i32
    %mul3A_23 = arith.muli %arg1, %mul3A_22 : i32
    %mul3A_24 = arith.constant 640 : i32
    %mul3A_25 = arith.muli %arg1, %mul3A_24 : i32
    "tpu.region"() ({
      %run_scoped3A = tpu.sem_alloc : memref<!tpu.dma_semaphore, #tpu.memory_space<semaphore_mem>>
      %dma_start3A = arith.constant 0 : i32
      %dma_start3A_27 = tpu.memref_slice %arg8[%arg0, %mul3A_25, %dma_start3A] : memref<2x10240x64xf32, #tpu.memory_space<hbm>> -> memref<1x640x64xf32, #tpu.memory_space<hbm>>
      %dma_start3A_28 = tpu.memref_squeeze %dma_start3A_27 : memref<1x640x64xf32, #tpu.memory_space<hbm>> -> memref<640x64xf32, #tpu.memory_space<hbm>>
      %dma_start3A_29 = arith.constant 0 : i32
      %dma_start3A_30 = tpu.memref_slice %arg12[%mul3A_23, %dma_start3A_29] : memref<10240x64xf32, #tpu.memory_space<vmem_shared>> -> memref<640x64xf32, #tpu.memory_space<vmem_shared>>
      tpu.enqueue_dma source(%dma_start3A_30 : memref<640x64xf32, #tpu.memory_space<vmem_shared>>) target(%dma_start3A_28 : memref<640x64xf32, #tpu.memory_space<hbm>>) target_semaphore(%run_scoped3A : memref<!tpu.dma_semaphore, #tpu.memory_space<semaphore_mem>>)
      %dma_wait3A = arith.constant 0 : i32
      %dma_wait3A_31 = tpu.memref_slice %arg8[%arg0, %mul3A_25, %dma_wait3A] : memref<2x10240x64xf32, #tpu.memory_space<hbm>> -> memref<1x640x64xf32, #tpu.memory_space<hbm>>
      %dma_wait3A_32 = tpu.memref_squeeze %dma_wait3A_31 : memref<1x640x64xf32, #tpu.memory_space<hbm>> -> memref<640x64xf32, #tpu.memory_space<hbm>>
      %dma_wait3A_33 = arith.constant 0 : i32
      %dma_wait3A_34 = tpu.memref_slice %arg12[%mul3A_23, %dma_wait3A_33] : memref<10240x64xf32, #tpu.memory_space<vmem_shared>> -> memref<640x64xf32, #tpu.memory_space<vmem_shared>>
      tpu.wait_dma2 semaphore(%run_scoped3A : memref<!tpu.dma_semaphore, #tpu.memory_space<semaphore_mem>>) src(%dma_wait3A_34 : memref<640x64xf32, #tpu.memory_space<vmem_shared>>) dst(%dma_wait3A_32 : memref<640x64xf32, #tpu.memory_space<hbm>>)
      tpu.yield
    }) : () -> ()
    %barrier3A_26 = arith.constant 0 : index
    tpu.barrier barrier_id(%barrier3A_26)
    return
  }
}

module attributes {stable_mosaic.version = 14 : i64} {
  func.func @_build_tables_body(%arg0: i32, %arg1: memref<1000x128xf32, #tpu.memory_space<vmem>>, %arg2: memref<1000x128xf32, #tpu.memory_space<vmem>>, %arg3: memref<128x128xf32, #tpu.memory_space<vmem>>, %arg4: memref<128x128xf32, #tpu.memory_space<vmem>>, %arg5: memref<1x128xf32, #tpu.memory_space<vmem>>, %arg6: memref<1000x64xf32, #tpu.memory_space<vmem>>, %arg7: memref<1000x64xf32, #tpu.memory_space<vmem>>) attributes {dimension_semantics = [#tpu.dimension_semantics<arbitrary>], iteration_bounds = array<i64: 20>, scalar_prefetch = 0 : i64, scratch_operands = 0 : i64, tpu.core_type = #tpu.core_type<tc>, window_params = [{transform_indices = @transform_0, window_bounds = array<i64: 1000, 128>}, {transform_indices = @transform_1, window_bounds = array<i64: 1000, 128>}, {pipeline_mode = #tpu.pipeline_mode<synchronous>, transform_indices = @transform_2, window_bounds = array<i64: 128, 128>}, {pipeline_mode = #tpu.pipeline_mode<synchronous>, transform_indices = @transform_3, window_bounds = array<i64: 128, 128>}, {pipeline_mode = #tpu.pipeline_mode<synchronous>, transform_indices = @transform_4, window_bounds = array<i64: 1, 128>}, {transform_indices = @transform_5, window_bounds = array<i64: 1000, 64>}, {transform_indices = @transform_6, window_bounds = array<i64: 1000, 64>}]} {
    %lt3A = arith.constant 10 : i32
    %lt3A_0 = arith.cmpi slt, %arg0, %lt3A : i32
    %convert_element_type3A = arith.extui %lt3A_0 : i1 to i32
    %cond3A = arith.constant 0 : i32
    %cond3A_1 = arith.cmpi ne, %convert_element_type3A, %cond3A : i32
    scf.if %cond3A_1 {
      %get3A = arith.constant 0 : index
      %get3A_6 = arith.constant 0 : index
      %get3A_7 = vector.load %arg1[%get3A, %get3A_6] : memref<1000x128xf32, #tpu.memory_space<vmem>>, vector<1000x128xf32>
      %slice3A = vector.extract_strided_slice %get3A_7 {offsets = [0, 0], sizes = [1000, 64], strides = [1, 1]} : vector<1000x128xf32> to vector<1000x64xf32>
      %swap3A = arith.constant 0 : index
      %swap3A_8 = arith.constant 0 : index
      %swap3A_9 = vector.load %arg6[%swap3A, %swap3A_8] : memref<1000x64xf32, #tpu.memory_space<vmem>>, vector<1000x64xf32>
      tpu.vector_store %arg6[%swap3A, %swap3A_8], %slice3A {strides = array<i32>} : memref<1000x64xf32, #tpu.memory_space<vmem>>, vector<1000x64xf32>,
      %slice3A_10 = vector.extract_strided_slice %get3A_7 {offsets = [0, 64], sizes = [1000, 64], strides = [1, 1]} : vector<1000x128xf32> to vector<1000x64xf32>
      %swap3A_11 = arith.constant 0 : index
      %swap3A_12 = arith.constant 0 : index
      %swap3A_13 = vector.load %arg7[%swap3A_11, %swap3A_12] : memref<1000x64xf32, #tpu.memory_space<vmem>>, vector<1000x64xf32>
      tpu.vector_store %arg7[%swap3A_11, %swap3A_12], %slice3A_10 {strides = array<i32>} : memref<1000x64xf32, #tpu.memory_space<vmem>>, vector<1000x64xf32>,
    } else {
    }
    %ge3A = arith.constant 10 : i32
    %ge3A_2 = arith.cmpi sge, %arg0, %ge3A : i32
    %convert_element_type3A_3 = arith.extui %ge3A_2 : i1 to i32
    %cond3A_4 = arith.constant 0 : i32
    %cond3A_5 = arith.cmpi ne, %convert_element_type3A_3, %cond3A_4 : i32
    scf.if %cond3A_5 {
      %get3A = arith.constant 0 : index
      %get3A_6 = arith.constant 0 : index
      %get3A_7 = vector.load %arg1[%get3A, %get3A_6] : memref<1000x128xf32, #tpu.memory_space<vmem>>, vector<1000x128xf32>
      %get3A_8 = arith.constant 0 : index
      %get3A_9 = arith.constant 0 : index
      %get3A_10 = vector.load %arg2[%get3A_8, %get3A_9] : memref<1000x128xf32, #tpu.memory_space<vmem>>, vector<1000x128xf32>
      %get3A_11 = arith.constant 0 : index
      %get3A_12 = arith.constant 0 : index
      %get3A_13 = vector.load %arg3[%get3A_11, %get3A_12] : memref<128x128xf32, #tpu.memory_space<vmem>>, vector<128x128xf32>
      %dot_general3A = arith.constant dense<0.000000e+00> : vector<1000x128xf32>
      %dot_general3A_14 = tpu.matmul %get3A_10, %get3A_13, %dot_general3A {dimension_numbers = #tpu.dot_dimension_numbers<[1], [0], [0], [1], [0, 0, 1, 1], [], []>, transpose_lhs_hint = false} : vector<1000x128xf32>, vector<128x128xf32>, vector<1000x128xf32> -> vector<1000x128xf32>
      %get3A_15 = arith.constant 0 : index
      %get3A_16 = arith.constant 0 : index
      %get3A_17 = vector.load %arg4[%get3A_15, %get3A_16] : memref<128x128xf32, #tpu.memory_space<vmem>>, vector<128x128xf32>
      %dot_general3A_18 = arith.constant dense<0.000000e+00> : vector<1000x128xf32>
      %dot_general3A_19 = tpu.matmul %get3A_7, %get3A_17, %dot_general3A_18 {dimension_numbers = #tpu.dot_dimension_numbers<[1], [0], [0], [1], [0, 0, 1, 1], [], []>, transpose_lhs_hint = false} : vector<1000x128xf32>, vector<128x128xf32>, vector<1000x128xf32> -> vector<1000x128xf32>
      %add3A = arith.addf %dot_general3A_14, %dot_general3A_19 : vector<1000x128xf32>
      %get3A_20 = arith.constant 0 : index
      %get3A_21 = arith.constant 0 : index
      %get3A_22 = vector.load %arg5[%get3A_20, %get3A_21] : memref<1x128xf32, #tpu.memory_space<vmem>>, vector<1x128xf32>
      %add3A_23 = vector.broadcast %get3A_22 : vector<1x128xf32> to vector<1000x128xf32>
      %add3A_24 = arith.addf %add3A, %add3A_23 : vector<1000x128xf32>
      %logistic3A = arith.negf %add3A_24 : vector<1000x128xf32>
      %logistic3A_25 = math.exp %logistic3A : vector<1000x128xf32>
      %logistic3A_26 = arith.constant 1.000000e+00 : f32
      %logistic3A_27 = vector.broadcast %logistic3A_26 : f32 to vector<1000x128xf32>
      %logistic3A_28 = arith.addf %logistic3A_27, %logistic3A_25 : vector<1000x128xf32>
      %logistic3A_29 = arith.divf %logistic3A_27, %logistic3A_28 : vector<1000x128xf32>
      %mul3A = arith.mulf %logistic3A_29, %get3A_7 : vector<1000x128xf32>
      %slice3A = vector.extract_strided_slice %mul3A {offsets = [0, 0], sizes = [1000, 64], strides = [1, 1]} : vector<1000x128xf32> to vector<1000x64xf32>
      %swap3A = arith.constant 0 : index
      %swap3A_30 = arith.constant 0 : index
      %swap3A_31 = vector.load %arg6[%swap3A, %swap3A_30] : memref<1000x64xf32, #tpu.memory_space<vmem>>, vector<1000x64xf32>
      tpu.vector_store %arg6[%swap3A, %swap3A_30], %slice3A {strides = array<i32>} : memref<1000x64xf32, #tpu.memory_space<vmem>>, vector<1000x64xf32>,
      %slice3A_32 = vector.extract_strided_slice %mul3A {offsets = [0, 64], sizes = [1000, 64], strides = [1, 1]} : vector<1000x128xf32> to vector<1000x64xf32>
      %swap3A_33 = arith.constant 0 : index
      %swap3A_34 = arith.constant 0 : index
      %swap3A_35 = vector.load %arg7[%swap3A_33, %swap3A_34] : memref<1000x64xf32, #tpu.memory_space<vmem>>, vector<1000x64xf32>
      tpu.vector_store %arg7[%swap3A_33, %swap3A_34], %slice3A_32 {strides = array<i32>} : memref<1000x64xf32, #tpu.memory_space<vmem>>, vector<1000x64xf32>,
    } else {
    }
    return
  }
  func.func @transform_0(%arg0: i32) -> (i32, i32) {
    %lt3A = arith.constant 10 : i32
    %lt3A_0 = arith.cmpi slt, %arg0, %lt3A : i32
    %sub3A = arith.constant 10 : i32
    %sub3A_1 = arith.subi %arg0, %sub3A : i32
    %select_n3A = arith.select %lt3A_0, %arg0, %sub3A_1 : i32
    %c0_i32 = arith.constant 0 : i32
    %c0_i32_2 = arith.constant 0 : i32
    return %select_n3A, %c0_i32 : i32, i32
  }
  func.func @transform_1(%arg0: i32) -> (i32, i32) {
    %lt3A = arith.constant 10 : i32
    %lt3A_0 = arith.cmpi slt, %arg0, %lt3A : i32
    %sub3A = arith.constant 10 : i32
    %sub3A_1 = arith.subi %arg0, %sub3A : i32
    %jit3A = arith.constant 0 : i32
    %select_n3A = arith.select %lt3A_0, %jit3A, %sub3A_1 : i32
    %c0_i32 = arith.constant 0 : i32
    %c0_i32_2 = arith.constant 0 : i32
    return %select_n3A, %c0_i32 : i32, i32
  }
  func.func @transform_2(%arg0: i32) -> (i32, i32) {
    %c0_i32 = arith.constant 0 : i32
    %c0_i32_0 = arith.constant 0 : i32
    %c0_i32_1 = arith.constant 0 : i32
    return %c0_i32, %c0_i32_0 : i32, i32
  }
  func.func @transform_3(%arg0: i32) -> (i32, i32) {
    %c0_i32 = arith.constant 0 : i32
    %c0_i32_0 = arith.constant 0 : i32
    %c0_i32_1 = arith.constant 0 : i32
    return %c0_i32, %c0_i32_0 : i32, i32
  }
  func.func @transform_4(%arg0: i32) -> (i32, i32) {
    %c0_i32 = arith.constant 0 : i32
    %c0_i32_0 = arith.constant 0 : i32
    %c0_i32_1 = arith.constant 0 : i32
    return %c0_i32, %c0_i32_0 : i32, i32
  }
  func.func @transform_5(%arg0: i32) -> (i32, i32) {
    %c0_i32 = arith.constant 0 : i32
    %c0_i32_0 = arith.constant 0 : i32
    return %arg0, %c0_i32 : i32, i32
  }
  func.func @transform_6(%arg0: i32) -> (i32, i32) {
    %c0_i32 = arith.constant 0 : i32
    %c0_i32_0 = arith.constant 0 : i32
    return %arg0, %c0_i32 : i32, i32
  }
}

module attributes {stable_mosaic.version = 14 : i64} {
  func.func @_gate_body(%arg0: i32, %arg1: memref<1000x128xf32, #tpu.memory_space<vmem>>, %arg2: memref<1x1000x64xf32, #tpu.memory_space<vmem>>, %arg3: memref<1x1000x64xf32, #tpu.memory_space<vmem>>, %arg4: memref<1x1000x64xf32, #tpu.memory_space<vmem>>, %arg5: memref<1x1000x64xf32, #tpu.memory_space<vmem>>, %arg6: memref<128x128xf32, #tpu.memory_space<vmem>>, %arg7: memref<128x128xf32, #tpu.memory_space<vmem>>, %arg8: memref<1x128xf32, #tpu.memory_space<vmem>>, %arg9: memref<128x128xf32, #tpu.memory_space<vmem>>, %arg10: memref<128x128xf32, #tpu.memory_space<vmem>>, %arg11: memref<1x128xf32, #tpu.memory_space<vmem>>, %arg12: memref<1000x128xf32, #tpu.memory_space<vmem>>) attributes {dimension_semantics = [#tpu.dimension_semantics<arbitrary>], iteration_bounds = array<i64: 10>, scalar_prefetch = 0 : i64, scratch_operands = 0 : i64, tpu.core_type = #tpu.core_type<tc>, window_params = [{transform_indices = @transform_0, window_bounds = array<i64: 1000, 128>}, {transform_indices = @transform_1, window_bounds = array<i64: 1, 1000, 64>}, {transform_indices = @transform_2, window_bounds = array<i64: 1, 1000, 64>}, {transform_indices = @transform_3, window_bounds = array<i64: 1, 1000, 64>}, {transform_indices = @transform_4, window_bounds = array<i64: 1, 1000, 64>}, {pipeline_mode = #tpu.pipeline_mode<synchronous>, transform_indices = @transform_5, window_bounds = array<i64: 128, 128>}, {pipeline_mode = #tpu.pipeline_mode<synchronous>, transform_indices = @transform_6, window_bounds = array<i64: 128, 128>}, {pipeline_mode = #tpu.pipeline_mode<synchronous>, transform_indices = @transform_7, window_bounds = array<i64: 1, 128>}, {pipeline_mode = #tpu.pipeline_mode<synchronous>, transform_indices = @transform_8, window_bounds = array<i64: 128, 128>}, {pipeline_mode = #tpu.pipeline_mode<synchronous>, transform_indices = @transform_9, window_bounds = array<i64: 128, 128>}, {pipeline_mode = #tpu.pipeline_mode<synchronous>, transform_indices = @transform_10, window_bounds = array<i64: 1, 128>}, {transform_indices = @transform_11, window_bounds = array<i64: 1000, 128>}]} {
    %get3A = arith.constant 0 : index
    %get3A_0 = arith.constant 0 : index
    %get3A_1 = vector.load %arg1[%get3A, %get3A_0] : memref<1000x128xf32, #tpu.memory_space<vmem>>, vector<1000x128xf32>
    %get3A_2 = arith.constant 0 : index
    %get3A_3 = arith.constant 0 : index
    %get3A_4 = arith.constant 0 : index
    %get3A_5 = vector.load %arg2[%get3A_2, %get3A_3, %get3A_4] : memref<1x1000x64xf32, #tpu.memory_space<vmem>>, vector<1x1000x64xf32>
    %get3A_6 = vector.shape_cast %get3A_5 : vector<1x1000x64xf32> to vector<1000x64xf32>
    %get3A_7 = arith.constant 0 : index
    %get3A_8 = arith.constant 0 : index
    %get3A_9 = arith.constant 0 : index
    %get3A_10 = vector.load %arg3[%get3A_7, %get3A_8, %get3A_9] : memref<1x1000x64xf32, #tpu.memory_space<vmem>>, vector<1x1000x64xf32>
    %get3A_11 = vector.shape_cast %get3A_10 : vector<1x1000x64xf32> to vector<1000x64xf32>
    %concatenate3A = tpu.concatenate %get3A_6, %get3A_11 in 1 : vector<1000x64xf32>, vector<1000x64xf32> -> vector<1000x128xf32>
    %get3A_12 = arith.constant 0 : index
    %get3A_13 = arith.constant 0 : index
    %get3A_14 = arith.constant 0 : index
    %get3A_15 = vector.load %arg4[%get3A_12, %get3A_13, %get3A_14] : memref<1x1000x64xf32, #tpu.memory_space<vmem>>, vector<1x1000x64xf32>
    %get3A_16 = vector.shape_cast %get3A_15 : vector<1x1000x64xf32> to vector<1000x64xf32>
    %get3A_17 = arith.constant 0 : index
    %get3A_18 = arith.constant 0 : index
    %get3A_19 = arith.constant 0 : index
    %get3A_20 = vector.load %arg5[%get3A_17, %get3A_18, %get3A_19] : memref<1x1000x64xf32, #tpu.memory_space<vmem>>, vector<1x1000x64xf32>
    %get3A_21 = vector.shape_cast %get3A_20 : vector<1x1000x64xf32> to vector<1000x64xf32>
    %concatenate3A_22 = tpu.concatenate %get3A_16, %get3A_21 in 1 : vector<1000x64xf32>, vector<1000x64xf32> -> vector<1000x128xf32>
    %get3A_23 = arith.constant 0 : index
    %get3A_24 = arith.constant 0 : index
    %get3A_25 = vector.load %arg6[%get3A_23, %get3A_24] : memref<128x128xf32, #tpu.memory_space<vmem>>, vector<128x128xf32>
    %dot_general3A = arith.constant dense<0.000000e+00> : vector<1000x128xf32>
    %dot_general3A_26 = tpu.matmul %get3A_1, %get3A_25, %dot_general3A {dimension_numbers = #tpu.dot_dimension_numbers<[1], [0], [0], [1], [0, 0, 1, 1], [], []>, transpose_lhs_hint = false} : vector<1000x128xf32>, vector<128x128xf32>, vector<1000x128xf32> -> vector<1000x128xf32>
    %get3A_27 = arith.constant 0 : index
    %get3A_28 = arith.constant 0 : index
    %get3A_29 = vector.load %arg7[%get3A_27, %get3A_28] : memref<128x128xf32, #tpu.memory_space<vmem>>, vector<128x128xf32>
    %dot_general3A_30 = arith.constant dense<0.000000e+00> : vector<1000x128xf32>
    %dot_general3A_31 = tpu.matmul %concatenate3A, %get3A_29, %dot_general3A_30 {dimension_numbers = #tpu.dot_dimension_numbers<[1], [0], [0], [1], [0, 0, 1, 1], [], []>, transpose_lhs_hint = false} : vector<1000x128xf32>, vector<128x128xf32>, vector<1000x128xf32> -> vector<1000x128xf32>
    %add3A = arith.addf %dot_general3A_26, %dot_general3A_31 : vector<1000x128xf32>
    %get3A_32 = arith.constant 0 : index
    %get3A_33 = arith.constant 0 : index
    %get3A_34 = vector.load %arg8[%get3A_32, %get3A_33] : memref<1x128xf32, #tpu.memory_space<vmem>>, vector<1x128xf32>
    %add3A_35 = vector.broadcast %get3A_34 : vector<1x128xf32> to vector<1000x128xf32>
    %add3A_36 = arith.addf %add3A, %add3A_35 : vector<1000x128xf32>
    %logistic3A = arith.negf %add3A_36 : vector<1000x128xf32>
    %logistic3A_37 = math.exp %logistic3A : vector<1000x128xf32>
    %logistic3A_38 = arith.constant 1.000000e+00 : f32
    %logistic3A_39 = vector.broadcast %logistic3A_38 : f32 to vector<1000x128xf32>
    %logistic3A_40 = arith.addf %logistic3A_39, %logistic3A_37 : vector<1000x128xf32>
    %logistic3A_41 = arith.divf %logistic3A_39, %logistic3A_40 : vector<1000x128xf32>
    %get3A_42 = arith.constant 0 : index
    %get3A_43 = arith.constant 0 : index
    %get3A_44 = vector.load %arg9[%get3A_42, %get3A_43] : memref<128x128xf32, #tpu.memory_space<vmem>>, vector<128x128xf32>
    %dot_general3A_45 = arith.constant dense<0.000000e+00> : vector<1000x128xf32>
    %dot_general3A_46 = tpu.matmul %get3A_1, %get3A_44, %dot_general3A_45 {dimension_numbers = #tpu.dot_dimension_numbers<[1], [0], [0], [1], [0, 0, 1, 1], [], []>, transpose_lhs_hint = false} : vector<1000x128xf32>, vector<128x128xf32>, vector<1000x128xf32> -> vector<1000x128xf32>
    %get3A_47 = arith.constant 0 : index
    %get3A_48 = arith.constant 0 : index
    %get3A_49 = vector.load %arg10[%get3A_47, %get3A_48] : memref<128x128xf32, #tpu.memory_space<vmem>>, vector<128x128xf32>
    %dot_general3A_50 = arith.constant dense<0.000000e+00> : vector<1000x128xf32>
    %dot_general3A_51 = tpu.matmul %concatenate3A_22, %get3A_49, %dot_general3A_50 {dimension_numbers = #tpu.dot_dimension_numbers<[1], [0], [0], [1], [0, 0, 1, 1], [], []>, transpose_lhs_hint = false} : vector<1000x128xf32>, vector<128x128xf32>, vector<1000x128xf32> -> vector<1000x128xf32>
    %add3A_52 = arith.addf %dot_general3A_46, %dot_general3A_51 : vector<1000x128xf32>
    %get3A_53 = arith.constant 0 : index
    %get3A_54 = arith.constant 0 : index
    %get3A_55 = vector.load %arg11[%get3A_53, %get3A_54] : memref<1x128xf32, #tpu.memory_space<vmem>>, vector<1x128xf32>
    %add3A_56 = vector.broadcast %get3A_55 : vector<1x128xf32> to vector<1000x128xf32>
    %add3A_57 = arith.addf %add3A_52, %add3A_56 : vector<1000x128xf32>
    %tanh3A = math.tanh %add3A_57 : vector<1000x128xf32>
    %sub3A = arith.constant 1.000000e+00 : f32
    %sub3A_58 = vector.broadcast %sub3A : f32 to vector<1000x128xf32>
    %sub3A_59 = arith.subf %sub3A_58, %logistic3A_41 : vector<1000x128xf32>
    %mul3A = arith.mulf %sub3A_59, %concatenate3A : vector<1000x128xf32>
    %mul3A_60 = arith.mulf %logistic3A_41, %tanh3A : vector<1000x128xf32>
    %add3A_61 = arith.addf %mul3A, %mul3A_60 : vector<1000x128xf32>
    %swap3A = arith.constant 0 : index
    %swap3A_62 = arith.constant 0 : index
    %swap3A_63 = vector.load %arg12[%swap3A, %swap3A_62] : memref<1000x128xf32, #tpu.memory_space<vmem>>, vector<1000x128xf32>
    tpu.vector_store %arg12[%swap3A, %swap3A_62], %add3A_61 {strides = array<i32>} : memref<1000x128xf32, #tpu.memory_space<vmem>>, vector<1000x128xf32>,
    return
  }
  func.func @transform_0(%arg0: i32) -> (i32, i32) {
    %c0_i32 = arith.constant 0 : i32
    %c0_i32_0 = arith.constant 0 : i32
    return %arg0, %c0_i32 : i32, i32
  }
  func.func @transform_1(%arg0: i32) -> (i32, i32, i32) {
    %c0_i32 = arith.constant 0 : i32
    %c0_i32_0 = arith.constant 0 : i32
    %c0_i32_1 = arith.constant 0 : i32
    return %c0_i32, %arg0, %c0_i32_0 : i32, i32, i32
  }
  func.func @transform_2(%arg0: i32) -> (i32, i32, i32) {
    %c0_i32 = arith.constant 0 : i32
    %c0_i32_0 = arith.constant 0 : i32
    %c0_i32_1 = arith.constant 0 : i32
    return %c0_i32, %arg0, %c0_i32_0 : i32, i32, i32
  }
  func.func @transform_3(%arg0: i32) -> (i32, i32, i32) {
    %c1_i32 = arith.constant 1 : i32
    %c0_i32 = arith.constant 0 : i32
    %c0_i32_0 = arith.constant 0 : i32
    return %c1_i32, %arg0, %c0_i32 : i32, i32, i32
  }
  func.func @transform_4(%arg0: i32) -> (i32, i32, i32) {
    %c1_i32 = arith.constant 1 : i32
    %c0_i32 = arith.constant 0 : i32
    %c0_i32_0 = arith.constant 0 : i32
    return %c1_i32, %arg0, %c0_i32 : i32, i32, i32
  }
  func.func @transform_5(%arg0: i32) -> (i32, i32) {
    %c0_i32 = arith.constant 0 : i32
    %c0_i32_0 = arith.constant 0 : i32
    %c0_i32_1 = arith.constant 0 : i32
    return %c0_i32, %c0_i32_0 : i32, i32
  }
  func.func @transform_6(%arg0: i32) -> (i32, i32) {
    %c0_i32 = arith.constant 0 : i32
    %c0_i32_0 = arith.constant 0 : i32
    %c0_i32_1 = arith.constant 0 : i32
    return %c0_i32, %c0_i32_0 : i32, i32
  }
  func.func @transform_7(%arg0: i32) -> (i32, i32) {
    %c0_i32 = arith.constant 0 : i32
    %c0_i32_0 = arith.constant 0 : i32
    %c0_i32_1 = arith.constant 0 : i32
    return %c0_i32, %c0_i32_0 : i32, i32
  }
  func.func @transform_8(%arg0: i32) -> (i32, i32) {
    %c0_i32 = arith.constant 0 : i32
    %c0_i32_0 = arith.constant 0 : i32
    %c0_i32_1 = arith.constant 0 : i32
    return %c0_i32, %c0_i32_0 : i32, i32
  }
  func.func @transform_9(%arg0: i32) -> (i32, i32) {
    %c0_i32 = arith.constant 0 : i32
    %c0_i32_0 = arith.constant 0 : i32
    %c0_i32_1 = arith.constant 0 : i32
    return %c0_i32, %c0_i32_0 : i32, i32
  }
  func.func @transform_10(%arg0: i32) -> (i32, i32) {
    %c0_i32 = arith.constant 0 : i32
    %c0_i32_0 = arith.constant 0 : i32
    %c0_i32_1 = arith.constant 0 : i32
    return %c0_i32, %c0_i32_0 : i32, i32
  }
  func.func @transform_11(%arg0: i32) -> (i32, i32) {
    %c0_i32 = arith.constant 0 : i32
    %c0_i32_0 = arith.constant 0 : i32
    return %arg0, %c0_i32 : i32, i32
  }
}

</mosaic_0001>

<sc_bundles>
// kernel: kernel.5.cloned.1.call-start
scs
__scs_entry_jumppad:
0x0: {  	(pc) =	sbr.rel $0x88, $3  }
0x1: {  	(tag) =	ssettag $0x0;
	lr =	simm.s32 $0x1  }
0x2: {  	[smem:$0x3F94] =	sst lr;
	_ =	strace $0xD0000000  }
0x3: {  	_ = 	snop  }
0x4: {  	_ = 	snop  }
0x5: {  	_ = 	snop  }
0x6: {  	_ = 	snop  }
0x7: {  	_ = 	snop  }
__scs_overlays_trampoline_lowered:
0x8: {  	[smem:$0x3FA3] =	sst s0  }
0x9: {  	[smem:$0x3FA4] =	sst s1  }
0xa: {  	[smem:$0x3FA5] =	sst s2  }
0xb: {  	[smem:$0x3FA6] =	sst s3  }
0xc: {  	[smem:$0x3FA7] =	sst s4  }
0xd: {  	[smem:$0x3FA8] =	sst s5  }
0xe: {  	[smem:$0x3FA9] =	sst s6  }
0xf: {  	[smem:$0x3FAA] =	sst s7  }
0x10: {  	[smem:$0x3FAB] =	sst s8  }
0x11: {  	[smem:$0x3FAC] =	sst s9;
	s0 =	simm.s32 @!p0 $0x0  }
0x12: {  	s1 =	sld [smem:$0x3F92];
	s0 =	simm.s32 @p0 $0x1  }
0x13: {  	[smem:$0x3FAD] =	sst s0;
	s0 =	simm.s32 @!p1 $0x0  }
0x14: {  	s2 =	sld [smem:$0x3F91];
	s0 =	simm.s32 @p1 $0x1  }
0x15: {  	[smem:$0x3FAE] =	sst s0;
	s0 =	simm.s32 @!p2 $0x0  }
0x16: {  	s3 =	sld [smem:$0x3FDB];
	s0 =	simm.s32 @p2 $0x1  }
0x17: {  	s4 =	simm.s32 $0x1BF5;
	[smem:$0x3FB0] =	sst s0  }
0x18: {  	s0 =	sld [smem:$0x3F93];
	_ =	swait.ge [sflag:s4], $0x0  }
0x19: {  	s7 =	sld [smem:$0x3F94]  }
0x1a: {  	s8 =	sadd.s32 $0xFFFFE003, lr  }
0x1b: {  	s9 =	sadd.s32 $0xFFFFFEF7, lr;
	s5 =	simm.s32 $0xFFFFFFFF;
	p2 =	slt.u32 s8, $0xFFFFF086  }
0x1c: {  	p1 =	slt.u32 s9, $0xF7A;
	s5 =	simm.s32 @!p2 $0x0  }
0x1d: {  	s5 =	simm.s32 @p1 $0x1;
	p0 =	seq.s32 s7, s2  }
0x1e: {  	s7 =	smul.u32 @!p0 $0xF7A, s2;
	p2 =	seq.s32 @!p0 s5, $0x0  }
0x1f: {  	s9 =	smul.u32 $0xF7A, s1;
	s8 =	simm.s32 @!p0 $0x1BF5;
	p2 =	por !p2, p0  }
0x20: {  	[sflag:s8] =	ssyncset.s32 @!p0 $0xFFFFF086;
	s6 =	sadd.s32 @!p0 s3, s7;
	s7 =	simm.s32 @!p0 $0x108  }
0x21: {  	s3 =	sadd.s32 s3, s9;
	s6 =	sadd.s32 @!p0 $0x88, s6;
	s7 =	simm.s32 @p2 $0x1082  }
0x22: {  	[simem:s7], [sflag:s8] =	dma.local @!p0 [hbm:s6], $0xF7A  }
0x23: {  	s9 =	sor.u32 $0xD0000000, s2;
	s6 =	simm.s32 $0x108;
	_ =	swait.ge @!p0 [sflag:s8], $0x0  }
0x24: {  	s3 =	sadd.s32 $0x88, s3;
	s6 =	simm.s32 @!p1 $0x1082;
	[sflag:s4] =	ssyncset.s32 $0xFFFFF086  }
0x25: {  	[simem:s6], [sflag:s4] =	dma.local [hbm:s3], $0xF7A  }
0x26: {  	[smem:$0x3F94] =	sst s1;
	(tag) =	ssettag s2;
	_ =	strace s9  }
0x27: {  	s1 =	sld [smem:$0x3FA4]  }
0x28: {  	s2 =	sld [smem:$0x3FA5]  }
0x29: {  	s4 =	sld [smem:$0x3FA7]  }
0x2a: {  	p0 =	seq.s32 s5, $0x0;
	s5 =	sld [smem:$0x3FA8]  }
0x2b: {  	s6 =	sld [smem:$0x3FA9]  }
0x2c: {  	s7 =	sld [smem:$0x3FAA]  }
0x2d: {  	s3 =	simm.s32 $0x108;
	s8 =	sld [smem:$0x3FAB]  }
0x2e: {  	s3 =	simm.s32 @!p0 $0x1082;
	s9 =	sld [smem:$0x3FAC]  }
0x2f: {  	lr =	sadd.s32 s0, s3;
	s0 =	sld [smem:$0x3FA3]  }
0x30: {  	s3 =	sld [smem:$0x3FA6]  }
0x31: {  	[smem:$0x3FAF] =	sst s10  }
0x32: {  	s10 =	sld [smem:$0x3FAD];
	_ =	sdelay $0x3  }
0x33: {  	p0 =	seq.s32 s10, $0x1;
	s10 =	sld [smem:$0x3FAF];
	_ =	sdelay $0x3  }
0x34: {  	[smem:$0x3FAF] =	sst s10  }
0x35: {  	s10 =	sld [smem:$0x3FAE];
	_ =	sdelay $0x3  }
0x36: {  	p1 =	seq.s32 s10, $0x1;
	s10 =	sld [smem:$0x3FAF];
	_ =	sdelay $0x3  }
0x37: {  	[smem:$0x3FAF] =	sst s10  }
0x38: {  	s10 =	sld [smem:$0x3FB0]  }
0x39: {  	_ = 	snop;
	(pc) =	sbr.ind lr, $3  }
0x3a: {  	_ = 	snop  }
0x3b: {  	_ = 	snop  }
0x3c: {  	p2 =	seq.s32 s10, $0x1;
	s10 =	sld [smem:$0x3FAF]  }
0x3d: {  	_ =	shalt  }
0x3e: {  	_ =	shalt  }
0x3f: {  	_ =	shalt  }
0x40: {  	_ =	shalt  }
0x41: {  	_ =	shalt  }
0x42: {  	_ =	shalt  }
0x43: {  	_ =	shalt  }
0x44: {  	_ =	shalt  }
0x45: {  	_ =	shalt  }
0x46: {  	_ =	shalt  }
0x47: {  	_ =	shalt  }
0x48: {  	_ =	shalt  }
0x49: {  	_ =	shalt  }
0x4a: {  	_ =	shalt  }
0x4b: {  	_ =	shalt  }
0x4c: {  	_ =	shalt  }
0x4d: {  	_ =	shalt  }
0x4e: {  	_ =	shalt  }
0x4f: {  	_ =	shalt  }
0x50: {  	_ =	shalt  }
0x51: {  	_ =	shalt  }
0x52: {  	_ =	shalt  }
0x53: {  	_ =	shalt  }
0x54: {  	_ =	shalt  }
0x55: {  	_ =	shalt  }
0x56: {  	_ =	shalt  }
0x57: {  	_ =	shalt  }
0x58: {  	_ =	shalt  }
0x59: {  	_ =	shalt  }
0x5a: {  	_ =	shalt  }
0x5b: {  	_ =	shalt  }
0x5c: {  	_ =	shalt  }
0x5d: {  	_ =	shalt  }
0x5e: {  	_ =	shalt  }
0x5f: {  	_ =	shalt  }
0x60: {  	_ =	shalt  }
0x61: {  	_ =	shalt  }
0x62: {  	_ =	shalt  }
0x63: {  	_ =	shalt  }
0x64: {  	_ =	shalt  }
0x65: {  	_ =	shalt  }
0x66: {  	_ =	shalt  }
0x67: {  	_ =	shalt  }
0x68: {  	_ =	shalt  }
0x69: {  	_ =	shalt  }
0x6a: {  	_ =	shalt  }
0x6b: {  	_ =	shalt  }
0x6c: {  	_ =	shalt  }
0x6d: {  	_ =	shalt  }
0x6e: {  	_ =	shalt  }
0x6f: {  	_ =	shalt  }
0x70: {  	_ =	shalt  }
0x71: {  	_ =	shalt  }
0x72: {  	_ =	shalt  }
0x73: {  	_ =	shalt  }
0x74: {  	_ =	shalt  }
0x75: {  	_ =	shalt  }
0x76: {  	_ =	shalt  }
0x77: {  	_ =	shalt  }
0x78: {  	_ =	shalt  }
0x79: {  	_ =	shalt  }
0x7a: {  	_ =	shalt  }
0x7b: {  	_ =	shalt  }
0x7c: {  	_ =	shalt  }
0x7d: {  	_ =	shalt  }
0x7e: {  	_ =	shalt  }
0x7f: {  	_ =	shalt  }
0x80: {  	_ =	shalt  }
0x81: {  	_ =	shalt  }
0x82: {  	_ =	shalt  }
0x83: {  	_ =	shalt  }
0x84: {  	_ =	shalt  }
0x85: {  	_ =	shalt  }
0x86: {  	_ =	shalt  }
0x87: {  	_ =	shalt  }
.Lfunc_end0:
.L_simem_size_0:
called_computation_lowered:
.L_overlay_start_0:
0x88: {  	s2 =	sld [smem:$0x3FD9]  }
0x89: {  	s3 =	sld [smem:$0x3FFE];
	_ =	sdelay $0x1  }
0x8a: {  	s1 =	srdreg.scid  }
0x8b: {  	s0 =	sand.u32 $0x1, s1  }
0x8c: {  	s17 =	sshll.u32 s0, $0xA;
	s2 =	sadd.s32 s3, s2  }
0x8d: {  	s2 =	sadd.s32 s2, s17  }
0x8e: {  	[smem:$0x3FBB] =	sst s2  }
0x8f: {  	_ = 	snop  }
0x90: {  	s2 =	sld [smem:$0x3FD0];
	(tm) =	ssettm $0x1  }
0x91: {  	s18 =	sld [smem:$0x3FFB];
	_ =	sdelay $0x3  }
0x92: {  	_ =	strace s18  }
0x93: {  	s3 =	sld [smem:$0x3FFC];
	_ =	sdelay $0x3  }
0x94: {  	_ =	strace s3  }
0x95: {  	s3 =	sld [smem:$0x3FFD];
	_ =	sdelay $0x3  }
0x96: {  	_ =	strace s3  }
0x97: {  	_ =	strace $0x8FFFFFFF  }
0x98: {  	s19 =	sld [smem:$0x3FDB];
	_ =	sdelay $0x1  }
0x99: {  	s4 =	simm.s32 $_scs_section_size  }
0x9a: {  	s5 =	simm.s32 $_size__tile_overlayer_lowered;
	s6 =	simm.s32 $_tile_overlayer_lowered  }
0x9b: {  	s22 =	simm.s32 $0x1BFF;
	s21 =	sshll.u32 s6, $0x1;
	s3 =	sadd.s32 s4, s19  }
0x9c: {  	s7 =	simm.s32 $0x0;
	s20 =	sshll.u32 s5, $0x1;
	s5 =	sadd.s32 s21, s3  }
0x9d: {  	[timem:s7], [sflag:s22] =	dma.local [hbm:s5], s20  }
0x9e: {  	_ =	swait.ge [sflag:s22], s20  }
0x9f: {  	s4 =	ssub.s32 $0x0, s20;
	[sflag:s22] =	ssyncset.done $0x0  }
0xa0: {  	[sflag:s22] =	ssyncadd.s32 s4;
	_ =	sdelay $0x1  }
0xa1: {  	s23 =	simm.s32 $0x1B8B  }
0xa2: {  	_ =	swait.ge [sflag:s23], $0x1  }
0xa3: {  	[sflag:s23] =	ssyncset.done $0x0  }
0xa4: {  	s25 =	simm.s32 $0x1B8E;
	s24 =	sld [smem:$0x3FFE];
	[sflag:s23] =	ssyncadd.s32 $0xFFFFFFFF  }
0xa5: {  	s26 =	simm.s32 $execute0_lowered;
	[smem:$0x3FD2] =	sst s25  }
0xa6: {  	s5 =	sshll.u32 s26, $0x1;
	_ =	strace $0x80000046;
	[dreg:$0x1] =	wrdreg $0xFFFFFFFF  }
0xa7: {  	s28 =	simm.s32 $_size_execute0_lowered;
	s3 =	sadd.s32 s3, s5;
	[dreg:$0x0] =	wrdreg $0x0  }
0xa8: {  	s5 =	sshll.u32 s28, $0x1;
	[dreg:$0x2] =	wrdreg s3  }
0xa9: {  	[dreg:$0x3] =	wrdreg s5  }
0xaa: {  	[dreg:$0x4] =	wrdreg $0xC0  }
0xab: {  	_ =	task [dreg:s7], $0x5FFFF  }
0xac: {  	[dreg:$0x1] =	wrdreg $0xFFFFFFFF  }
0xad: {  	[dreg:$0x0] =	wrdreg $0x60  }
0xae: {  	[dreg:$0x2] =	wrdreg s2  }
0xaf: {  	[dreg:$0x3] =	wrdreg s24  }
0xb0: {  	[dreg:$0x4] =	wrdreg $0xBD000  }
0xb1: {  	[dreg:$0x5] =	wrdreg $0x9  }
0xb2: {  	_ =	task.clear_ibuf [dreg:s7], $0x6FFFF;
	_ =	strace $0x90000046  }
0xb3: {  	s29 =	simm.s32 $0x9;
	_ =	strace $0x80000048  }
0xb4: {  	_ =	swait.ge [sflag:s29], $0x1  }
0xb5: {  	[sflag:s29] =	ssyncadd.s32 $0xFFFFFFFF  }
0xb6: {  	_ =	strace $0x90000048  }
0xb7: {  	_ =	sfence  }
0xb8: {  	s30 =	sld [smem:$0x0];
	_ =	sdelay $0x2  }
0xb9: {  	s31 =	sshll.u32 s1, $0xD;
	s1 =	sshrl.u32 s1, $0x2  }
0xba: {  	s3 =	sand.u32 $0x4000, s31;
	s1 =	sadd.s32 s1, s30  }
0xbb: {  	s0 =	sor.u32 s3, s0;
	s1 =	sshll.u32 s1, $0x11  }
0xbc: {  	s0 =	sor.u32 s1, s0  }
0xbd: {  	s0 =	sadd.s32 $0x8F2B, s0  }
0xbe: {  	[sflag:s0] =	ssyncadd.remote.s32 $0x1  }
0xbf: {  	_ =	sfence.sel $0xFFFF  }
0xc0: {  	[dreg:$0x0] =	wrdreg $0xFFFFFFFF;
	(pc) =	sbr.abs _section_cstart, $3  }
0xc1: {  	[dreg:$0x1] =	wrdreg $0xFFFFFFFF  }
0xc2: {  	_ =	task.clear_ibuf [dreg:s7], $0x2FFFF;
	_ =	strace $0x9FFFFFFF  }
0xc3: {  	(tm) =	ssettm $0x7FFFFFFF  }
tec
execute0_lowered:
.L_overlay_start_1:
0x0: {  	(tag) =	ssettag $0x1  }
0x1: {  	s1 =	rddreg [dreg:$0x0]  }
0x2: {  	s2 =	srdreg.scid;
	s7 =	rddreg [dreg:$0x1]  }
0x3: {  	s0 =	stileid.u32;
	s3 =	rddreg [dreg:$0x2];
	s4 =	simm.s32 $0x0  }
0x4: {  	s16 =	simm.s32 $0x80;
	s17 =	simm.s32 $0x9D00;
	s8 =	smul.u32 $0x4E80, s0  }
0x5: {  	s18 =	simm.s32 $0x1;
	s6 =	sand.u32 $0x1, s2;
	s9 =	smul.u32 $0xA000, s0  }
0x6: {  	s19 =	simm.s32 $0x0;
	s2 =	rddreg [dreg:$0x3];
	s5 =	smul.u32 $0x4E800, s6  }
0x7: {  	[smem:$0x7FF] =	sst s4;
	s14 =	sshll.u32 s0, $0x6;
	s11 =	smul.u32 $0xA0000, s6  }
0x8: {  	_ =	strace $0x80000047;
	s12 =	ssub.s32 $0x2, s6;
	s6 =	sadd.s32 $0x47000, s7  }
0x9: {  	s14 =	sor.u32 $0x1C02, s14;
	s13 =	sshrl.u32 s12, $0x1;
	s15 =	sadd.s32 s9, s3  }
0xa: {  	s5 =	sadd.s32 s8, s5;
	s8 =	sshrl.u32 s8, $0x3;
	s11 =	sadd.s32 s9, s11  }
0xb: {  	s12 =	ssub.s32 s12, s13;
	s13 =	simm.s32 $0x4E80;
	s15 =	sshrl.u32 s15, $0x3  }
0xc: {  	s10 =	sshrl.u32 s5, $0x3;
	s5 =	sadd.s32 $0x2600, s7;
	s11 =	sshrl.u32 s11, $0x3  }
0xd: {  	s8 =	sadd.s32 s8, s7;
	s10 =	sadd.s32 s10, s7;
	s11 =	sadd.s32 s11, s7  }
0xe: {  	s8 =	sadd.s32 $0x3D200, s8;
	s7 =	sadd.s32 $0x29800, s10;
	s9 =	sadd.s32 $0x48400, s11  }
0xf: {  	s10 =	sadd.s32 $0x70400, s11;
	s11 =	smax.u32 s12, $0x1;
	s12 =	simm.s32 $0x2  }
.LBB2_1:
0x10: {  	[tilespmem:s4], [sflag:$0x2] =	stream.linear.gather [hbm4b:s7+s4], $0x4E80, $0x38;
	[tilespmem:$0x15D00] =	vst v63  }
0x11: {  	_ =	swait.ge [sflag:s12], $0x4E80  }
0x12: {  	[sflag:s12] =	ssyncset.done $0x0  }
0x13: {  	[sflag:s12] =	ssyncadd.s32 $0xFFFFB180  }
0x14: {  	[tilespmem:s13], [sflag:$0x2] =	stream.linear.gather [hbm4b:s8+s4], $0x4E80, $0x38;
	[tilespmem:$0x15D00] =	vst v63  }
0x15: {  	_ =	swait.ge [sflag:s12], $0x4E80  }
0x16: {  	[sflag:s12] =	ssyncset.done $0x0  }
0x17: {  	[sflag:s12] =	ssyncadd.s32 $0xFFFFB180  }
0x18: {  	[spmem:s15], [sflag:s14] =	dma.local [hbm:s6], $0x1400  }
0x19: {  	_ =	swait.ge [sflag:s12], $0x1400  }
0x1a: {  	[sflag:s12] =	ssyncset.done $0x0  }
0x1b: {  	[sflag:s12] =	ssyncadd.s32 $0xFFFFEC00  }
0x1c: {  	s20 =	simm.s32 $0x0;
	[bflag:$0x0] =	sbarrier.arrive $0xFFFF  }
0x1d: {  	[tilespmem:s17], [sflag:$0x1] =	stream.indirect.gather [hbm4b:s1+s16], $0x40, s20, s16, $0xb8;
	[tilespmem:$0x15D00] =	vst v63  }
0x1e: {  	_ =	swait.ge [sflag:s18], $0x2000  }
0x1f: {  	[sflag:s18] =	ssyncset.done $0x0  }
0x20: {  	s31 =	simm.s32 $0x4E80;
	[sflag:s18] =	ssyncadd.s32 $0xFFFFE000  }
0x21: {  	[spmem:s3] =	stream.indirect.scatter.add.f32 [tilespmem:s17], [sflag:$0x2], $0x40, s31, s16, $0xb8;
	[tilespmem:$0x15D00] =	vst v63  }
0x22: {  	_ =	swait.ge [sflag:s12], $0x2000  }
0x23: {  	s21 =	simm.s32 $0x400;
	s20 =	simm.s32 $0x200;
	[sflag:s12] =	ssyncset.done $0x0  }
.LBB2_2:
0x24: {  	s22 =	sshra.s32 s20, $0x2  }
0x25: {  	[sflag:s12] =	ssyncadd.s32 $0xFFFFE000;
	s20 =	smov.u32 s21;
	s23 =	sadd.s32 $0x200, s21  }
0x26: {  	[tilespmem:s17], [sflag:$0x1] =	stream.indirect.gather [hbm4b:s1+s16], $0x40, s22, s16, $0xb8;
	[tilespmem:$0x15D00] =	vst v63  }
0x27: {  	p0 =	sne.s32 s21, $0x13800;
	_ =	swait.ge [sflag:s18], $0x2000  }
.Ltmp0:
0x28: {  	[sflag:s18] =	ssyncset.done $0x0;
	(pc) =	sbr.rel @p0 .LBB2_2-.Ltmp0, $4  }
0x29: {  	s21 =	sadd.s32 $0x4E80, s22;
	[sflag:s18] =	ssyncadd.s32 $0xFFFFE000  }
0x2a: {  	[spmem:s3] =	stream.indirect.scatter.add.f32 [tilespmem:s17], [sflag:$0x2], $0x40, s21, s16, $0xb8;
	[tilespmem:$0x15D00] =	vst v63  }
0x2b: {  	_ =	swait.ge [sflag:s12], $0x2000  }
0x2c: {  	s21 =	smov.u32 s23;
	[sflag:s12] =	ssyncset.done $0x0  }
0x2d: {  	s20 =	sshra.s32 s20, $0x2;
	[sflag:s12] =	ssyncadd.s32 $0xFFFFE000  }
0x2e: {  	[tilespmem:s17], [sflag:$0x1] =	stream.indirect.gather [hbm4b:s1+s16], $0x40, s20, s16, $0xb8;
	[tilespmem:$0x15D00] =	vst v63  }
0x2f: {  	_ =	swait.ge [sflag:s18], $0x2000  }
0x30: {  	[sflag:s18] =	ssyncset.done $0x0  }
0x31: {  	s20 =	sadd.s32 $0x4E80, s20;
	[sflag:s18] =	ssyncadd.s32 $0xFFFFE000  }
0x32: {  	[spmem:s3] =	stream.indirect.scatter.add.f32 [tilespmem:s17], [sflag:$0x2], $0x40, s20, s16, $0xb8;
	[tilespmem:$0x15D00] =	vst v63  }
0x33: {  	_ =	swait.ge [sflag:s12], $0x2000  }
0x34: {  	[sflag:s12] =	ssyncset.done $0x0  }
0x35: {  	[sflag:s12] =	ssyncadd.s32 $0xFFFFE000  }
0x36: {  	[bflag:$0x0] =	sbarrier.arrive $0xFFFF  }
0x37: {  	[hbm:s9], [sflag:s14] =	dma.local [spmem:s15], $0x1400  }
0x38: {  	_ =	swait.ge [sflag:s12], $0x1400  }
0x39: {  	[sflag:s12] =	ssyncset.done $0x0  }
0x3a: {  	[sflag:s12] =	ssyncadd.s32 $0xFFFFEC00  }
0x3b: {  	[bflag:$0x0] =	sbarrier.arrive $0xFFFF  }
0x3c: {  	[spmem:s15], [sflag:s14] =	dma.local [hbm:s6], $0x1400  }
0x3d: {  	_ =	swait.ge [sflag:s12], $0x1400  }
0x3e: {  	[sflag:s12] =	ssyncset.done $0x0  }
0x3f: {  	[sflag:s12] =	ssyncadd.s32 $0xFFFFEC00  }
0x40: {  	s30 =	simm.s32 $0x0;
	[bflag:$0x0] =	sbarrier.arrive $0xFFFF  }
0x41: {  	[tilespmem:s17], [sflag:$0x1] =	stream.indirect.gather [hbm4b:s5+s16], $0x40, s30, s16, $0xb8;
	[tilespmem:$0x15D00] =	vst v63  }
0x42: {  	_ =	swait.ge [sflag:s18], $0x2000  }
0x43: {  	[sflag:s18] =	ssyncset.done $0x0  }
0x44: {  	s31 =	simm.s32 $0x4E80;
	[sflag:s18] =	ssyncadd.s32 $0xFFFFE000  }
0x45: {  	[spmem:s3] =	stream.indirect.scatter.add.f32 [tilespmem:s17], [sflag:$0x2], $0x40, s31, s16, $0xb8;
	[tilespmem:$0x15D00] =	vst v63  }
0x46: {  	_ =	swait.ge [sflag:s12], $0x2000  }
0x47: {  	s21 =	simm.s32 $0x400;
	s20 =	simm.s32 $0x200;
	[sflag:s12] =	ssyncset.done $0x0  }
.LBB2_4:
0x48: {  	s22 =	sshra.s32 s20, $0x2  }
0x49: {  	[sflag:s12] =	ssyncadd.s32 $0xFFFFE000;
	s20 =	smov.u32 s21;
	s23 =	sadd.s32 $0x200, s21  }
0x4a: {  	[tilespmem:s17], [sflag:$0x1] =	stream.indirect.gather [hbm4b:s5+s16], $0x40, s22, s16, $0xb8;
	[tilespmem:$0x15D00] =	vst v63  }
0x4b: {  	p0 =	sne.s32 s21, $0x13800;
	_ =	swait.ge [sflag:s18], $0x2000  }
.Ltmp1:
0x4c: {  	[sflag:s18] =	ssyncset.done $0x0;
	(pc) =	sbr.rel @p0 .LBB2_4-.Ltmp1, $4  }
0x4d: {  	s21 =	sadd.s32 $0x4E80, s22;
	[sflag:s18] =	ssyncadd.s32 $0xFFFFE000  }
0x4e: {  	[spmem:s3] =	stream.indirect.scatter.add.f32 [tilespmem:s17], [sflag:$0x2], $0x40, s21, s16, $0xb8;
	[tilespmem:$0x15D00] =	vst v63  }
0x4f: {  	_ =	swait.ge [sflag:s12], $0x2000  }
0x50: {  	s21 =	smov.u32 s23;
	[sflag:s12] =	ssyncset.done $0x0  }
0x51: {  	s20 =	sshra.s32 s20, $0x2;
	[sflag:s12] =	ssyncadd.s32 $0xFFFFE000  }
0x52: {  	[tilespmem:s17], [sflag:$0x1] =	stream.indirect.gather [hbm4b:s5+s16], $0x40, s20, s16, $0xb8;
	[tilespmem:$0x15D00] =	vst v63  }
0x53: {  	_ =	swait.ge [sflag:s18], $0x2000  }
0x54: {  	[sflag:s18] =	ssyncset.done $0x0  }
0x55: {  	s20 =	sadd.s32 $0x4E80, s20;
	[sflag:s18] =	ssyncadd.s32 $0xFFFFE000  }
0x56: {  	[spmem:s3] =	stream.indirect.scatter.add.f32 [tilespmem:s17], [sflag:$0x2], $0x40, s20, s16, $0xb8;
	[tilespmem:$0x15D00] =	vst v63  }
0x57: {  	_ =	swait.ge [sflag:s12], $0x2000  }
0x58: {  	[sflag:s12] =	ssyncset.done $0x0  }
0x59: {  	s19 =	sadd.s32 $0x1, s19;
	[sflag:s12] =	ssyncadd.s32 $0xFFFFE000  }
0x5a: {  	p0 =	sne.s32 s19, s11;
	[bflag:$0x0] =	sbarrier.arrive $0xFFFF  }
0x5b: {  	[hbm:s10], [sflag:s14] =	dma.local [spmem:s15], $0x1400  }
.Ltmp2:
0x5c: {  	_ =	swait.ge [sflag:s12], $0x1400;
	(pc) =	sbr.rel @p0 .LBB2_1-.Ltmp2, $3  }
0x5d: {  	[sflag:s12] =	ssyncset.done $0x0  }
0x5e: {  	[sflag:s12] =	ssyncadd.s32 $0xFFFFEC00  }
0x5f: {  	[bflag:$0x0] =	sbarrier.arrive $0xFFFF;
	_ =	sdelay $0x1  }
0x60: {  	_ =	sfence.sel $0x180000  }
0x61: {  	[bflag:$0x0] =	sbarrier.arrive $0xFFFF  }
0x62: {  	p0 =	sne.s32 s0, $0x0;
	_ =	strace $0x90000047  }
0x63: {  	s0 =	sadd.s32 @!p0 $0x100000, s2;
	[bflag:$0x2] =	sbarrier.arrive $0xFFFF  }
0x64: {  	[sflag:s0] =	ssyncadd.tile.s32 @!p0 $0x1;
	_ =	shalt  }
.Lfunc_end2:
_tile_overlayer_lowered:
.L_overlay_start_2:
0x65: {  	(tag) =	ssettag $0x2  }
0x66: {  	s0 =	rddreg [dreg:$0x0];
	s2 =	stileid.u32  }
0x67: {  	s1 =	rddreg [dreg:$0x1];
	p0 =	sne.s32 s2, $0x0  }
0x68: {  	s3 =	rddreg [dreg:$0x2];
	[bflag:$0x3] =	sbarrier.arrive $0xFFFF;
	s2 =	simm.s32 @!p0 $0x1C02  }
0x69: {  	[timem:s3], [sflag:s2] =	dma.local @!p0 [hbm:s0], s1  }
0x6a: {  	s0 =	simm.s32 @!p0 $0x2  }
0x6b: {  	_ =	swait.ge @!p0 [sflag:s0], s1  }
0x6c: {  	s1 =	ssub.s32 @!p0 $0x0, s1;
	[sflag:s0] =	ssyncset.done @!p0 $0x0  }
0x6d: {  	[sflag:s0] =	ssyncadd.s32 @!p0 s1  }
0x6e: {  	[bflag:$0x3] =	sbarrier.arrive $0xFFFF  }
0x6f: {  	_ =	shalt  }

</sc_bundles>
